<compile_context>
chip_gen: v7x
topology: tpu7x:2x2x1
jax: 0.10.2.dev20260603
libtpu: 0.0.44.dev20260713+nightly
codegen_flags: <defaults>
</compile_context>

<pallas_src>
import jax
import jax.numpy as jnp
from jax import lax
from jax.experimental import pallas as pl
from jax.experimental.pallas import tpu as pltpu
from jax.experimental.pallas import tpu_sc as plsc

_ACCELERATION = 4.0
_CENTER_FRACTION = 0.08
_W = 320
_SLOPE = 10.0
_NUM_ACTIONS = _W
_BUDGET = int(_NUM_ACTIONS / _ACCELERATION - _NUM_ACTIONS * _CENTER_FRACTION)


def _policy_kernel(mask2d_ref, sampler_ref, u_ref, mpm_ref, rowval_ref):
    m = mask2d_ref[...]
    s = sampler_ref[...]
    u = u_ref[...]
    b = m.shape[0]
    prob = jnp.logaddexp(0.0, _SLOPE * s) / _SLOPE
    prob = jnp.broadcast_to(prob, (b, _W))
    denom = jnp.max((1.0 - m) * prob, axis=1, keepdims=True)
    prob = prob / denom
    mpm = prob * (1.0 - m)
    sel = m == 0
    x = jnp.where(sel, mpm, 0.0)
    sparsity = _BUDGET / _W
    xbar = jnp.mean(x, axis=1, keepdims=True)
    r = sparsity / xbar
    beta = (1.0 - sparsity) / (1.0 - xbar)
    le = (r <= 1.0).astype(x.dtype)
    normed = le * x * r + (1.0 - le) * (1.0 - (1.0 - x) * beta)
    mpm = jnp.where(sel, normed, mpm)
    hard = (mpm > u).astype(mpm.dtype)
    mpm_ref[...] = mpm
    rowval_ref[...] = m + hard


def _mask_kernel(ks_ref, rv_ref, mpm_ref,
                 out_ref, mask_new_ref, fpm_ref):
    c = pl.program_id(1)
    out_ref[...] = ks_ref[...] * rv_ref[...]

    @pl.when(c == 0)
    def _():
        mask_new_ref[...] = jnp.broadcast_to(rv_ref[...], mask_new_ref.shape)
        fpm_ref[...] = jnp.broadcast_to(mpm_ref[...], fpm_ref.shape)


def _sc_mask_copy(mask_hbm, out_hbm, buf):
    wid = lax.axis_index("s") * 2 + lax.axis_index("c")
    b = wid // 16
    rem = wid % 16
    sl = rem // 2
    h0 = (rem % 2) * 160
    src = mask_hbm.at[b, 0, sl, pl.ds(h0, 160)]
    dst = out_hbm.at[b, 0, sl, pl.ds(h0, 160)]
    pltpu.sync_copy(src, buf)
    pltpu.sync_copy(buf, dst)


def kernel(mask, kspace, sampler):
    batch, coils, slc, height, width, _ = kspace.shape
    mask2d = mask[:, :, 0, 0, :, :].reshape(batch, width)
    u = jax.random.uniform(jax.random.key(1), (batch, width), dtype=kspace.dtype)

    mpm, rowval = pl.pallas_call(
        _policy_kernel,
        out_shape=[
            jax.ShapeDtypeStruct((batch, width), kspace.dtype),
            jax.ShapeDtypeStruct((batch, width), kspace.dtype),
        ],
    )(mask2d, sampler, u)

    ksv = jnp.swapaxes(kspace, 4, 5)
    maskv = jnp.swapaxes(mask, 4, 5)
    rv6 = rowval.reshape(batch, 1, 1, 1, 1, width)
    mpm6 = mpm.reshape(batch, 1, 1, 1, 1, width)
    grid = (batch, coils)
    row_spec = pl.BlockSpec((1, 1, 1, 1, 1, width), lambda b, c: (b, 0, 0, 0, 0, 0))
    big_spec = pl.BlockSpec((1, 1, slc, height, 2, width), lambda b, c: (b, c, 0, 0, 0, 0))
    bcast_spec = pl.BlockSpec((1, 1, 1, height, 1, width), lambda b, c: (b, 0, 0, 0, 0, 0))
    out6, mask_new6, fpm6 = pl.pallas_call(
        _mask_kernel,
        grid=grid,
        in_specs=[big_spec, row_spec, row_spec],
        out_specs=[big_spec, bcast_spec, bcast_spec],
        out_shape=[
            jax.ShapeDtypeStruct((batch, coils, slc, height, 2, width), kspace.dtype),
            jax.ShapeDtypeStruct((batch, 1, 1, height, 1, width), kspace.dtype),
            jax.ShapeDtypeStruct((batch, 1, 1, height, 1, width), kspace.dtype),
        ],
        compiler_params=pltpu.CompilerParams(skip_device_barrier=True),
    )(ksv, rv6, mpm6)

    mask_o = pl.kernel(
        _sc_mask_copy,
        out_type=jax.ShapeDtypeStruct((batch, 1, slc, height, 1, width), mask.dtype),
        mesh=plsc.VectorSubcoreMesh(core_axis_name="c", subcore_axis_name="s"),
        scratch_types=[
            pltpu.VMEM((160, 1, width), mask.dtype),
        ],
        compiler_params=pltpu.CompilerParams(use_tc_tiling_on_sc=True),
    )(maskv)

    masked_kspace = jnp.swapaxes(out6, 4, 5)
    mask_in = jnp.swapaxes(mask_o, 4, 5)
    mask_new = jnp.swapaxes(mask_new6, 4, 5)
    final_prob_mask = jnp.swapaxes(fpm6, 4, 5)
    return (masked_kspace, mask_in, mask_new, final_prob_mask)

# --- scband reference (transcript-rebuilt; emitter-appended) ---
"""Pipeline reference for scband-loupe3d-policy-76570676953368 (READ-ONLY COPY).

The authoritative reference and input builder live on the scoring server;
editing this copy changes nothing except your own understanding.
"""

import jax, jax.numpy as jnp
import numpy as np

ACCELERATION = 4.0
CENTER_FRACTION = 0.08
W = 320
SLOPE = 10.0
ST_SLOPE = 10.0
NUM_ACTIONS = W
BUDGET = int(NUM_ACTIONS / ACCELERATION - NUM_ACTIONS * CENTER_FRACTION)


def softplus_beta(x, beta):
    return jnp.logaddexp(0.0, beta * x) / beta


def rescale_probs(x, budget):
    # vectorized, mathematically identical to the per-row torch loop
    b, width = x.shape
    sparsity = budget / width
    xbar = jnp.mean(x, axis=1, keepdims=True)
    r = sparsity / xbar
    beta = (1.0 - sparsity) / (1.0 - xbar)
    le = (r <= 1.0).astype(x.dtype)
    return le * x * r + (1.0 - le) * (1.0 - (1.0 - x) * beta)


def setup_inputs(seed: int = 0) -> dict:
    key = jax.random.key(seed)
    k1, k2 = jax.random.split(key)
    kspace = jax.random.normal(k1, (2, 8, 8, 320, 320, 2), dtype=jnp.float32)
    mask = jnp.zeros((2, 1, 8, 320, 320, 1), dtype=jnp.float32)
    # learned sampler parameter: normal(mean=1, std=0.1), shape (1, num_actions)
    sampler = 1.0 + 0.1 * jax.random.normal(k2, (1, NUM_ACTIONS), dtype=jnp.float32)
    return {"mask": mask, "kspace": kspace, "sampler": sampler}


def reference(mask, kspace, sampler):
    batch_size, _, slc, height, width, _ = kspace.shape
    mask_in = mask
    # sampling_ndim == 1 path
    mask2d = mask[:, :, 0, 0, :, :].reshape(batch_size, width)
    sampler_out = jnp.broadcast_to(sampler, (batch_size, sampler.shape[1]))
    # use_softplus=True path
    prob_mask = softplus_beta(sampler_out, SLOPE)
    denom = jnp.max((1.0 - mask2d.reshape(prob_mask.shape[0], prob_mask.shape[1])) * prob_mask, axis=1).reshape(-1, 1)
    prob_mask = prob_mask / denom
    masked_prob_mask = prob_mask * (1.0 - mask2d.reshape(prob_mask.shape[0], prob_mask.shape[1]))
    # padding is None
    sel = (mask2d == 0)
    probs_to_norm = jnp.where(sel, masked_prob_mask, 0.0).reshape(batch_size, masked_prob_mask.shape[1])
    normed_probs = rescale_probs(probs_to_norm, BUDGET)
    masked_prob_mask = jnp.where(sel, normed_probs, masked_prob_mask)
    # ThresholdSigmoidMask: stochastic hard threshold fwd, sigmoid-slope straight-through bwd
    u = jax.random.uniform(jax.random.key(1), masked_prob_mask.shape, dtype=masked_prob_mask.dtype)
    hard = (masked_prob_mask > u).astype(masked_prob_mask.dtype)
    soft = jax.nn.sigmoid(ST_SLOPE * masked_prob_mask)
    flat_bin_mask = hard + soft - jax.lax.stop_gradient(soft)
    acquisitions = jnp.broadcast_to(flat_bin_mask.reshape(batch_size, 1, 1, 1, width, 1), (batch_size, 1, 1, height, width, 1))
    final_prob_mask = jnp.broadcast_to(masked_prob_mask.reshape(batch_size, 1, 1, 1, width, 1), (batch_size, 1, 1, height, width, 1))
    mask_e = jnp.broadcast_to(mask2d.reshape(batch_size, 1, 1, 1, width, 1), (batch_size, 1, 1, height, width, 1))
    mask_new = mask_e + acquisitions
    # with torch.no_grad(): masked_kspace = mask * kspace
    masked_kspace = jax.lax.stop_gradient(mask_new * kspace)
    # fix_sign_leakage=True
    fix = jnp.where(jnp.logical_and(kspace < 0.0, mask_new == 0.0), -1.0, 1.0)
    masked_kspace = masked_kspace * fix
    return (masked_kspace, mask_in, mask_new, final_prob_mask)

if __name__ == "__main__":
    import jax
    _d = setup_inputs()
    print(jax.jit(kernel)(*tuple(_d.values())))

</pallas_src>

<mosaic_0001>
#map = affine_map<(d0, d1) -> (0, 0, 0, 0, 0, 0)>
module attributes {stable_mosaic.version = 14 : i64} {
  func.func @_sc_mask_copy(%arg0: i32, %arg1: i32, %arg2: memref<2x1x8x320x1x320xf32, #tpu.memory_space<hbm>>, %arg3: memref<2x1x8x320x1x320xf32, #tpu.memory_space<hbm>>, %arg4: memref<160x1x320xf32, #tpu.memory_space<vmem>>) attributes {dimension_semantics = [#tpu.dimension_semantics<core_parallel>, #tpu.dimension_semantics<subcore_parallel>], iteration_bounds = array<i64: 2, 16>, scalar_prefetch = 0 : i64, scratch_operands = 1 : i64, tpu.core_type = #tpu.core_type<sc_vector_subcore>, window_params = [{transform_indices = #map}, {transform_indices = #map}]} {
    %mul3A = arith.constant 2 : i32
    %mul3A_0 = arith.muli %arg1, %mul3A : i32
    %add3A = arith.addi %mul3A_0, %arg0 : i32
    %jit3A = arith.constant 16 : i32
    %div3A = arith.divsi %add3A, %jit3A : i32
    %sign3A = arith.constant 0 : i32
    %sign3A_1 = arith.cmpi sgt, %add3A, %sign3A : i32
    %sign3A_2 = arith.extui %sign3A_1 : i1 to i32
    %sign3A_3 = arith.constant 0 : i32
    %sign3A_4 = arith.cmpi slt, %add3A, %sign3A_3 : i32
    %sign3A_5 = arith.extui %sign3A_4 : i1 to i32
    %sign3A_6 = arith.subi %sign3A_2, %sign3A_5 : i32
    %sign3A_7 = arith.constant 0 : i32
    %sign3A_8 = arith.cmpi sgt, %jit3A, %sign3A_7 : i32
    %sign3A_9 = arith.extui %sign3A_8 : i1 to i32
    %sign3A_10 = arith.constant 0 : i32
    %sign3A_11 = arith.cmpi slt, %jit3A, %sign3A_10 : i32
    %sign3A_12 = arith.extui %sign3A_11 : i1 to i32
    %sign3A_13 = arith.subi %sign3A_9, %sign3A_12 : i32
    %ne3A = arith.cmpi ne, %sign3A_6, %sign3A_13 : i32
    %rem3A = arith.remsi %add3A, %jit3A : i32
    %ne3A_14 = arith.constant 0 : i32
    %ne3A_15 = arith.cmpi ne, %rem3A, %ne3A_14 : i32
    %and3A = arith.andi %ne3A, %ne3A_15 : i1
    %sub3A = arith.constant 1 : i32
    %sub3A_16 = arith.subi %div3A, %sub3A : i32
    %select_n3A = arith.select %and3A, %sub3A_16, %div3A : i32
    %jit3A_17 = arith.constant 16 : i32
    %eq3A = arith.constant 0 : i32
    %eq3A_18 = arith.cmpi eq, %jit3A_17, %eq3A : i32
    %jit3A_19 = arith.constant 1 : i32
    %select_n3A_20 = arith.select %eq3A_18, %jit3A_19, %jit3A_17 : i32
    %rem3A_21 = arith.remsi %add3A, %select_n3A_20 : i32
    %ne3A_22 = arith.constant 0 : i32
    %ne3A_23 = arith.cmpi ne, %rem3A_21, %ne3A_22 : i32
    %lt3A = arith.constant 0 : i32
    %lt3A_24 = arith.cmpi slt, %rem3A_21, %lt3A : i32
    %lt3A_25 = arith.constant 0 : i32
    %lt3A_26 = arith.cmpi slt, %select_n3A_20, %lt3A_25 : i32
    %ne3A_27 = arith.xori %lt3A_24, %lt3A_26 : i1
    %and3A_28 = arith.andi %ne3A_27, %ne3A_23 : i1
    %add3A_29 = arith.addi %rem3A_21, %select_n3A_20 : i32
    %select_n3A_30 = arith.select %and3A_28, %add3A_29, %rem3A_21 : i32
    %jit3A_31 = arith.constant 2 : i32
    %div3A_32 = arith.divsi %select_n3A_30, %jit3A_31 : i32
    %sign3A_33 = arith.constant 0 : i32
    %sign3A_34 = arith.cmpi sgt, %select_n3A_30, %sign3A_33 : i32
    %sign3A_35 = arith.extui %sign3A_34 : i1 to i32
    %sign3A_36 = arith.constant 0 : i32
    %sign3A_37 = arith.cmpi slt, %select_n3A_30, %sign3A_36 : i32
    %sign3A_38 = arith.extui %sign3A_37 : i1 to i32
    %sign3A_39 = arith.subi %sign3A_35, %sign3A_38 : i32
    %sign3A_40 = arith.constant 0 : i32
    %sign3A_41 = arith.cmpi sgt, %jit3A_31, %sign3A_40 : i32
    %sign3A_42 = arith.extui %sign3A_41 : i1 to i32
    %sign3A_43 = arith.constant 0 : i32
    %sign3A_44 = arith.cmpi slt, %jit3A_31, %sign3A_43 : i32
    %sign3A_45 = arith.extui %sign3A_44 : i1 to i32
    %sign3A_46 = arith.subi %sign3A_42, %sign3A_45 : i32
    %ne3A_47 = arith.cmpi ne, %sign3A_39, %sign3A_46 : i32
    %rem3A_48 = arith.remsi %select_n3A_30, %jit3A_31 : i32
    %ne3A_49 = arith.constant 0 : i32
    %ne3A_50 = arith.cmpi ne, %rem3A_48, %ne3A_49 : i32
    %and3A_51 = arith.andi %ne3A_47, %ne3A_50 : i1
    %sub3A_52 = arith.constant 1 : i32
    %sub3A_53 = arith.subi %div3A_32, %sub3A_52 : i32
    %select_n3A_54 = arith.select %and3A_51, %sub3A_53, %div3A_32 : i32
    %jit3A_55 = arith.constant 2 : i32
    %eq3A_56 = arith.constant 0 : i32
    %eq3A_57 = arith.cmpi eq, %jit3A_55, %eq3A_56 : i32
    %jit3A_58 = arith.constant 1 : i32
    %select_n3A_59 = arith.select %eq3A_57, %jit3A_58, %jit3A_55 : i32
    %rem3A_60 = arith.remsi %select_n3A_30, %select_n3A_59 : i32
    %ne3A_61 = arith.constant 0 : i32
    %ne3A_62 = arith.cmpi ne, %rem3A_60, %ne3A_61 : i32
    %lt3A_63 = arith.constant 0 : i32
    %lt3A_64 = arith.cmpi slt, %rem3A_60, %lt3A_63 : i32
    %lt3A_65 = arith.constant 0 : i32
    %lt3A_66 = arith.cmpi slt, %select_n3A_59, %lt3A_65 : i32
    %ne3A_67 = arith.xori %lt3A_64, %lt3A_66 : i1
    %and3A_68 = arith.andi %ne3A_67, %ne3A_62 : i1
    %add3A_69 = arith.addi %rem3A_60, %select_n3A_59 : i32
    %select_n3A_70 = arith.select %and3A_68, %add3A_69, %rem3A_60 : i32
    %mul3A_71 = arith.constant 160 : i32
    %mul3A_72 = arith.muli %select_n3A_70, %mul3A_71 : i32
    %run_scoped3A = arith.constant 0 : i32
    "tpu.region"() ({
      %run_scoped3A_74 = tpu.sem_alloc : memref<!tpu.dma_semaphore, #tpu.memory_space<semaphore_mem>>
      %dma_start3A = arith.constant 0 : i32
      %dma_start3A_75 = arith.constant 0 : i32
      %dma_start3A_76 = tpu.memref_slice %arg2[%select_n3A, %run_scoped3A, %select_n3A_54, %mul3A_72, %dma_start3A, %dma_start3A_75] : memref<2x1x8x320x1x320xf32, #tpu.memory_space<hbm>> -> memref<1x1x1x160x1x320xf32, #tpu.memory_space<hbm>>
      %dma_start3A_77 = tpu.memref_squeeze %dma_start3A_76 : memref<1x1x1x160x1x320xf32, #tpu.memory_space<hbm>> -> memref<160x1x320xf32, #tpu.memory_space<hbm>>
      %dma_start3A_78 = arith.constant 0 : i32
      %dma_start3A_79 = arith.constant 0 : i32
      %dma_start3A_80 = tpu.memref_slice %arg2[%select_n3A, %run_scoped3A, %select_n3A_54, %mul3A_72, %dma_start3A_78, %dma_start3A_79] : memref<2x1x8x320x1x320xf32, #tpu.memory_space<hbm>> -> memref<1x1x1x160x1x320xf32, #tpu.memory_space<hbm>>
      %dma_start3A_81 = tpu.memref_squeeze %dma_start3A_80 : memref<1x1x1x160x1x320xf32, #tpu.memory_space<hbm>> -> memref<160x1x320xf32, #tpu.memory_space<hbm>>
      tpu.enqueue_dma source(%dma_start3A_81 : memref<160x1x320xf32, #tpu.memory_space<hbm>>) target(%arg4 : memref<160x1x320xf32, #tpu.memory_space<vmem>>) target_semaphore(%run_scoped3A_74 : memref<!tpu.dma_semaphore, #tpu.memory_space<semaphore_mem>>)
      %dma_wait3A = arith.constant 0 : i32
      %dma_wait3A_82 = arith.constant 0 : i32
      %dma_wait3A_83 = tpu.memref_slice %arg2[%select_n3A, %run_scoped3A, %select_n3A_54, %mul3A_72, %dma_wait3A, %dma_wait3A_82] : memref<2x1x8x320x1x320xf32, #tpu.memory_space<hbm>> -> memref<1x1x1x160x1x320xf32, #tpu.memory_space<hbm>>
      %dma_wait3A_84 = tpu.memref_squeeze %dma_wait3A_83 : memref<1x1x1x160x1x320xf32, #tpu.memory_space<hbm>> -> memref<160x1x320xf32, #tpu.memory_space<hbm>>
      %dma_wait3A_85 = arith.constant 0 : i32
      %dma_wait3A_86 = arith.constant 0 : i32
      %dma_wait3A_87 = tpu.memref_slice %arg2[%select_n3A, %run_scoped3A, %select_n3A_54, %mul3A_72, %dma_wait3A_85, %dma_wait3A_86] : memref<2x1x8x320x1x320xf32, #tpu.memory_space<hbm>> -> memref<1x1x1x160x1x320xf32, #tpu.memory_space<hbm>>
      %dma_wait3A_88 = tpu.memref_squeeze %dma_wait3A_87 : memref<1x1x1x160x1x320xf32, #tpu.memory_space<hbm>> -> memref<160x1x320xf32, #tpu.memory_space<hbm>>
      tpu.wait_dma2 semaphore(%run_scoped3A_74 : memref<!tpu.dma_semaphore, #tpu.memory_space<semaphore_mem>>) src(%dma_wait3A_88 : memref<160x1x320xf32, #tpu.memory_space<hbm>>) dst(%arg4 : memref<160x1x320xf32, #tpu.memory_space<vmem>>)
      tpu.yield
    }) : () -> ()
    %run_scoped3A_73 = arith.constant 0 : i32
    "tpu.region"() ({
      %run_scoped3A_74 = tpu.sem_alloc : memref<!tpu.dma_semaphore, #tpu.memory_space<semaphore_mem>>
      %dma_start3A = arith.constant 0 : i32
      %dma_start3A_75 = arith.constant 0 : i32
      %dma_start3A_76 = tpu.memref_slice %arg3[%select_n3A, %run_scoped3A_73, %select_n3A_54, %mul3A_72, %dma_start3A, %dma_start3A_75] : memref<2x1x8x320x1x320xf32, #tpu.memory_space<hbm>> -> memref<1x1x1x160x1x320xf32, #tpu.memory_space<hbm>>
      %dma_start3A_77 = tpu.memref_squeeze %dma_start3A_76 : memref<1x1x1x160x1x320xf32, #tpu.memory_space<hbm>> -> memref<160x1x320xf32, #tpu.memory_space<hbm>>
      %dma_start3A_78 = arith.constant 0 : i32
      %dma_start3A_79 = arith.constant 0 : i32
      %dma_start3A_80 = tpu.memref_slice %arg3[%select_n3A, %run_scoped3A_73, %select_n3A_54, %mul3A_72, %dma_start3A_78, %dma_start3A_79] : memref<2x1x8x320x1x320xf32, #tpu.memory_space<hbm>> -> memref<1x1x1x160x1x320xf32, #tpu.memory_space<hbm>>
      %dma_start3A_81 = tpu.memref_squeeze %dma_start3A_80 : memref<1x1x1x160x1x320xf32, #tpu.memory_space<hbm>> -> memref<160x1x320xf32, #tpu.memory_space<hbm>>
      tpu.enqueue_dma source(%arg4 : memref<160x1x320xf32, #tpu.memory_space<vmem>>) target(%dma_start3A_81 : memref<160x1x320xf32, #tpu.memory_space<hbm>>) target_semaphore(%run_scoped3A_74 : memref<!tpu.dma_semaphore, #tpu.memory_space<semaphore_mem>>)
      %dma_wait3A = arith.constant 0 : i32
      %dma_wait3A_82 = arith.constant 0 : i32
      %dma_wait3A_83 = tpu.memref_slice %arg3[%select_n3A, %run_scoped3A_73, %select_n3A_54, %mul3A_72, %dma_wait3A, %dma_wait3A_82] : memref<2x1x8x320x1x320xf32, #tpu.memory_space<hbm>> -> memref<1x1x1x160x1x320xf32, #tpu.memory_space<hbm>>
      %dma_wait3A_84 = tpu.memref_squeeze %dma_wait3A_83 : memref<1x1x1x160x1x320xf32, #tpu.memory_space<hbm>> -> memref<160x1x320xf32, #tpu.memory_space<hbm>>
      %dma_wait3A_85 = arith.constant 0 : i32
      %dma_wait3A_86 = arith.constant 0 : i32
      %dma_wait3A_87 = tpu.memref_slice %arg3[%select_n3A, %run_scoped3A_73, %select_n3A_54, %mul3A_72, %dma_wait3A_85, %dma_wait3A_86] : memref<2x1x8x320x1x320xf32, #tpu.memory_space<hbm>> -> memref<1x1x1x160x1x320xf32, #tpu.memory_space<hbm>>
      %dma_wait3A_88 = tpu.memref_squeeze %dma_wait3A_87 : memref<1x1x1x160x1x320xf32, #tpu.memory_space<hbm>> -> memref<160x1x320xf32, #tpu.memory_space<hbm>>
      tpu.wait_dma2 semaphore(%run_scoped3A_74 : memref<!tpu.dma_semaphore, #tpu.memory_space<semaphore_mem>>) src(%arg4 : memref<160x1x320xf32, #tpu.memory_space<vmem>>) dst(%dma_wait3A_88 : memref<160x1x320xf32, #tpu.memory_space<hbm>>)
      tpu.yield
    }) : () -> ()
    return
  }
}

module attributes {stable_mosaic.version = 14 : i64} {
  func.func @_policy_kernel(%arg0: memref<2x320xf32, #tpu.memory_space<vmem>>, %arg1: memref<1x320xf32, #tpu.memory_space<vmem>>, %arg2: memref<2x320xf32, #tpu.memory_space<vmem>>, %arg3: memref<2x320xf32, #tpu.memory_space<vmem>>, %arg4: memref<2x320xf32, #tpu.memory_space<vmem>>) attributes {dimension_semantics = [], scalar_prefetch = 0 : i64, scratch_operands = 0 : i64, tpu.core_type = #tpu.core_type<tc>} {
    %get3A = arith.constant 0 : index
    %get3A_0 = arith.constant 0 : index
    %get3A_1 = vector.load %arg0[%get3A, %get3A_0] : memref<2x320xf32, #tpu.memory_space<vmem>>, vector<2x320xf32>
    %get3A_2 = arith.constant 0 : index
    %get3A_3 = arith.constant 0 : index
    %get3A_4 = vector.load %arg1[%get3A_2, %get3A_3] : memref<1x320xf32, #tpu.memory_space<vmem>>, vector<1x320xf32>
    %get3A_5 = arith.constant 0 : index
    %get3A_6 = arith.constant 0 : index
    %get3A_7 = vector.load %arg2[%get3A_5, %get3A_6] : memref<2x320xf32, #tpu.memory_space<vmem>>, vector<2x320xf32>
    %mul3A = arith.constant 1.000000e+01 : f32
    %mul3A_8 = vector.broadcast %mul3A : f32 to vector<1x320xf32>
    %mul3A_9 = arith.mulf %mul3A_8, %get3A_4 : vector<1x320xf32>
    %custom_jvp_call3A = arith.constant 0.000000e+00 : f32
    %max3A = vector.broadcast %custom_jvp_call3A : f32 to vector<1x320xf32>
    %max3A_10 = arith.maximumf %max3A, %mul3A_9 : vector<1x320xf32>
    %sub3A = vector.broadcast %custom_jvp_call3A : f32 to vector<1x320xf32>
    %sub3A_11 = arith.subf %sub3A, %mul3A_9 : vector<1x320xf32>
    %ne3A = arith.cmpf one, %sub3A_11, %sub3A_11 : vector<1x320xf32>
    %add3A = vector.broadcast %custom_jvp_call3A : f32 to vector<1x320xf32>
    %add3A_12 = arith.addf %add3A, %mul3A_9 : vector<1x320xf32>
    %abs3A = math.absf %sub3A_11 : vector<1x320xf32>
    %neg3A = arith.constant 0.000000e+00 : f32
    %neg3A_13 = vector.broadcast %neg3A : f32 to vector<1x320xf32>
    %neg3A_14 = arith.subf %neg3A_13, %abs3A : vector<1x320xf32>
    %exp3A = math.exp %neg3A_14 : vector<1x320xf32>
    %log1p3A = math.log1p %exp3A : vector<1x320xf32>
    %add3A_15 = arith.addf %max3A_10, %log1p3A : vector<1x320xf32>
    %select_n3A = arith.select %ne3A, %add3A_12, %add3A_15 : vector<1x320xi1>, vector<1x320xf32>
    %div3A = arith.constant 1.000000e+01 : f32
    %div3A_16 = vector.broadcast %div3A : f32 to vector<1x320xf32>
    %div3A_17 = arith.divf %select_n3A, %div3A_16 : vector<1x320xf32>
    %broadcast_in_dim3A = vector.shape_cast %div3A_17 : vector<1x320xf32> to vector<1x320xf32>
    %broadcast_in_dim3A_18 = vector.broadcast %broadcast_in_dim3A : vector<1x320xf32> to vector<2x320xf32>
    %sub3A_19 = arith.constant 1.000000e+00 : f32
    %sub3A_20 = vector.broadcast %sub3A_19 : f32 to vector<2x320xf32>
    %sub3A_21 = arith.subf %sub3A_20, %get3A_1 : vector<2x320xf32>
    %mul3A_22 = arith.mulf %sub3A_21, %broadcast_in_dim3A_18 : vector<2x320xf32>
    %reduce_max3A = arith.constant dense<0xFF800000> : vector<2xf32>
    %reduce_max3A_23 = vector.multi_reduction <maximumf>, %mul3A_22, %reduce_max3A [1] : vector<2x320xf32> to vector<2xf32>
    %broadcast_in_dim3A_24 = vector.shape_cast %reduce_max3A_23 : vector<2xf32> to vector<2x1xf32>
    %div3A_25 = vector.broadcast %broadcast_in_dim3A_24 : vector<2x1xf32> to vector<2x320xf32>
    %div3A_26 = arith.divf %broadcast_in_dim3A_18, %div3A_25 : vector<2x320xf32>
    %sub3A_27 = arith.constant 1.000000e+00 : f32
    %sub3A_28 = vector.broadcast %sub3A_27 : f32 to vector<2x320xf32>
    %sub3A_29 = arith.subf %sub3A_28, %get3A_1 : vector<2x320xf32>
    %mul3A_30 = arith.mulf %div3A_26, %sub3A_29 : vector<2x320xf32>
    %eq3A = arith.constant 0.000000e+00 : f32
    %eq3A_31 = vector.broadcast %eq3A : f32 to vector<2x320xf32>
    %eq3A_32 = arith.cmpf oeq, %get3A_1, %eq3A_31 : vector<2x320xf32>
    %jit3A = arith.constant 0.000000e+00 : f32
    %broadcast_in_dim3A_33 = vector.broadcast %jit3A : f32 to vector<2x320xf32>
    %select_n3A_34 = arith.select %eq3A_32, %mul3A_30, %broadcast_in_dim3A_33 : vector<2x320xi1>, vector<2x320xf32>
    %reduce_sum3A = arith.constant dense<0.000000e+00> : vector<2xf32>
    %reduce_sum3A_35 = vector.multi_reduction <add>, %select_n3A_34, %reduce_sum3A [1] : vector<2x320xf32> to vector<2xf32>
    %broadcast_in_dim3A_36 = vector.shape_cast %reduce_sum3A_35 : vector<2xf32> to vector<2x1xf32>
    %div3A_37 = arith.constant 3.200000e+02 : f32
    %div3A_38 = vector.broadcast %div3A_37 : f32 to vector<2x1xf32>
    %div3A_39 = arith.divf %broadcast_in_dim3A_36, %div3A_38 : vector<2x1xf32>
    %div3A_40 = arith.constant 1.687500e-01 : f32
    %div3A_41 = vector.broadcast %div3A_40 : f32 to vector<2x1xf32>
    %div3A_42 = arith.divf %div3A_41, %div3A_39 : vector<2x1xf32>
    %sub3A_43 = arith.constant 1.000000e+00 : f32
    %sub3A_44 = vector.broadcast %sub3A_43 : f32 to vector<2x1xf32>
    %sub3A_45 = arith.subf %sub3A_44, %div3A_39 : vector<2x1xf32>
    %div3A_46 = arith.constant 8.312500e-01 : f32
    %div3A_47 = vector.broadcast %div3A_46 : f32 to vector<2x1xf32>
    %div3A_48 = arith.divf %div3A_47, %sub3A_45 : vector<2x1xf32>
    %le3A = arith.constant 1.000000e+00 : f32
    %le3A_49 = vector.broadcast %le3A : f32 to vector<2x1xf32>
    %le3A_50 = arith.cmpf ole, %div3A_42, %le3A_49 : vector<2x1xf32>
    %convert_element_type3A = arith.extui %le3A_50 : vector<2x1xi1> to vector<2x1xi32>
    %convert_element_type3A_51 = arith.sitofp %convert_element_type3A : vector<2x1xi32> to vector<2x1xf32>
    %mul3A_52 = vector.broadcast %convert_element_type3A_51 : vector<2x1xf32> to vector<2x320xf32>
    %mul3A_53 = arith.mulf %mul3A_52, %select_n3A_34 : vector<2x320xf32>
    %mul3A_54 = vector.broadcast %div3A_42 : vector<2x1xf32> to vector<2x320xf32>
    %mul3A_55 = arith.mulf %mul3A_53, %mul3A_54 : vector<2x320xf32>
    %sub3A_56 = arith.constant 1.000000e+00 : f32
    %sub3A_57 = vector.broadcast %sub3A_56 : f32 to vector<2x1xf32>
    %sub3A_58 = arith.subf %sub3A_57, %convert_element_type3A_51 : vector<2x1xf32>
    %sub3A_59 = arith.constant 1.000000e+00 : f32
    %sub3A_60 = vector.broadcast %sub3A_59 : f32 to vector<2x320xf32>
    %sub3A_61 = arith.subf %sub3A_60, %select_n3A_34 : vector<2x320xf32>
    %mul3A_62 = vector.broadcast %div3A_48 : vector<2x1xf32> to vector<2x320xf32>
    %mul3A_63 = arith.mulf %sub3A_61, %mul3A_62 : vector<2x320xf32>
    %sub3A_64 = arith.constant 1.000000e+00 : f32
    %sub3A_65 = vector.broadcast %sub3A_64 : f32 to vector<2x320xf32>
    %sub3A_66 = arith.subf %sub3A_65, %mul3A_63 : vector<2x320xf32>
    %mul3A_67 = vector.broadcast %sub3A_58 : vector<2x1xf32> to vector<2x320xf32>
    %mul3A_68 = arith.mulf %mul3A_67, %sub3A_66 : vector<2x320xf32>
    %add3A_69 = arith.addf %mul3A_55, %mul3A_68 : vector<2x320xf32>
    %select_n3A_70 = arith.select %eq3A_32, %add3A_69, %mul3A_30 : vector<2x320xi1>, vector<2x320xf32>
    %gt3A = arith.cmpf ogt, %select_n3A_70, %get3A_7 : vector<2x320xf32>
    %convert_element_type3A_71 = arith.extui %gt3A : vector<2x320xi1> to vector<2x320xi32>
    %convert_element_type3A_72 = arith.sitofp %convert_element_type3A_71 : vector<2x320xi32> to vector<2x320xf32>
    %swap3A = arith.constant 0 : index
    %swap3A_73 = arith.constant 0 : index
    %swap3A_74 = vector.load %arg3[%swap3A, %swap3A_73] : memref<2x320xf32, #tpu.memory_space<vmem>>, vector<2x320xf32>
    tpu.vector_store %arg3[%swap3A, %swap3A_73], %select_n3A_70 {strides = array<i32>} : memref<2x320xf32, #tpu.memory_space<vmem>>, vector<2x320xf32>,
    %add3A_75 = arith.addf %get3A_1, %convert_element_type3A_72 : vector<2x320xf32>
    %swap3A_76 = arith.constant 0 : index
    %swap3A_77 = arith.constant 0 : index
    %swap3A_78 = vector.load %arg4[%swap3A_76, %swap3A_77] : memref<2x320xf32, #tpu.memory_space<vmem>>, vector<2x320xf32>
    tpu.vector_store %arg4[%swap3A_76, %swap3A_77], %add3A_75 {strides = array<i32>} : memref<2x320xf32, #tpu.memory_space<vmem>>, vector<2x320xf32>,
    return
  }
}

module attributes {stable_mosaic.version = 14 : i64} {
  func.func @_mask_kernel(%arg0: i32, %arg1: i32, %arg2: memref<1x1x8x320x2x320xf32, #tpu.memory_space<vmem>>, %arg3: memref<1x1x1x1x1x320xf32, #tpu.memory_space<vmem>>, %arg4: memref<1x1x1x1x1x320xf32, #tpu.memory_space<vmem>>, %arg5: memref<1x1x8x320x2x320xf32, #tpu.memory_space<vmem>>, %arg6: memref<1x1x1x320x1x320xf32, #tpu.memory_space<vmem>>, %arg7: memref<1x1x1x320x1x320xf32, #tpu.memory_space<vmem>>) attributes {dimension_semantics = [#tpu.dimension_semantics<arbitrary>, #tpu.dimension_semantics<arbitrary>], iteration_bounds = array<i64: 2, 8>, scalar_prefetch = 0 : i64, scratch_operands = 0 : i64, tpu.core_type = #tpu.core_type<tc>, window_params = [{transform_indices = @transform_0, window_bounds = array<i64: 1, 1, 8, 320, 2, 320>}, {transform_indices = @transform_1, window_bounds = array<i64: 1, 1, 1, 1, 1, 320>}, {transform_indices = @transform_2, window_bounds = array<i64: 1, 1, 1, 1, 1, 320>}, {transform_indices = @transform_3, window_bounds = array<i64: 1, 1, 8, 320, 2, 320>}, {transform_indices = @transform_4, window_bounds = array<i64: 1, 1, 1, 320, 1, 320>}, {transform_indices = @transform_5, window_bounds = array<i64: 1, 1, 1, 320, 1, 320>}]} {
    %get3A = arith.constant 0 : index
    %get3A_0 = arith.constant 0 : index
    %get3A_1 = arith.constant 0 : index
    %get3A_2 = arith.constant 0 : index
    %get3A_3 = arith.constant 0 : index
    %get3A_4 = arith.constant 0 : index
    %get3A_5 = vector.load %arg2[%get3A, %get3A_0, %get3A_1, %get3A_2, %get3A_3, %get3A_4] : memref<1x1x8x320x2x320xf32, #tpu.memory_space<vmem>>, vector<1x1x8x320x2x320xf32>
    %get3A_6 = arith.constant 0 : index
    %get3A_7 = arith.constant 0 : index
    %get3A_8 = arith.constant 0 : index
    %get3A_9 = arith.constant 0 : index
    %get3A_10 = arith.constant 0 : index
    %get3A_11 = arith.constant 0 : index
    %get3A_12 = vector.load %arg3[%get3A_6, %get3A_7, %get3A_8, %get3A_9, %get3A_10, %get3A_11] : memref<1x1x1x1x1x320xf32, #tpu.memory_space<vmem>>, vector<1x1x1x1x1x320xf32>
    %mul3A = vector.broadcast %get3A_12 : vector<1x1x1x1x1x320xf32> to vector<1x1x8x320x2x320xf32>
    %mul3A_13 = arith.mulf %get3A_5, %mul3A : vector<1x1x8x320x2x320xf32>
    %swap3A = arith.constant 0 : index
    %swap3A_14 = arith.constant 0 : index
    %swap3A_15 = arith.constant 0 : index
    %swap3A_16 = arith.constant 0 : index
    %swap3A_17 = arith.constant 0 : index
    %swap3A_18 = arith.constant 0 : index
    %swap3A_19 = vector.load %arg5[%swap3A, %swap3A_14, %swap3A_15, %swap3A_16, %swap3A_17, %swap3A_18] : memref<1x1x8x320x2x320xf32, #tpu.memory_space<vmem>>, vector<1x1x8x320x2x320xf32>
    tpu.vector_store %arg5[%swap3A, %swap3A_14, %swap3A_15, %swap3A_16, %swap3A_17, %swap3A_18], %mul3A_13 {strides = array<i32>} : memref<1x1x8x320x2x320xf32, #tpu.memory_space<vmem>>, vector<1x1x8x320x2x320xf32>,
    %eq3A = arith.constant 0 : i32
    %eq3A_20 = arith.cmpi eq, %arg1, %eq3A : i32
    %convert_element_type3A = arith.extui %eq3A_20 : i1 to i32
    %cond3A = arith.constant 0 : i32
    %cond3A_21 = arith.cmpi ne, %convert_element_type3A, %cond3A : i32
    scf.if %cond3A_21 {
      %get3A_22 = arith.constant 0 : index
      %get3A_23 = arith.constant 0 : index
      %get3A_24 = arith.constant 0 : index
      %get3A_25 = arith.constant 0 : index
      %get3A_26 = arith.constant 0 : index
      %get3A_27 = arith.constant 0 : index
      %get3A_28 = vector.load %arg3[%get3A_22, %get3A_23, %get3A_24, %get3A_25, %get3A_26, %get3A_27] : memref<1x1x1x1x1x320xf32, #tpu.memory_space<vmem>>, vector<1x1x1x1x1x320xf32>
      %broadcast_in_dim3A = vector.shape_cast %get3A_28 : vector<1x1x1x1x1x320xf32> to vector<1x1x1x1x1x320xf32>
      %broadcast_in_dim3A_29 = vector.broadcast %broadcast_in_dim3A : vector<1x1x1x1x1x320xf32> to vector<1x1x1x320x1x320xf32>
      %swap3A_30 = arith.constant 0 : index
      %swap3A_31 = arith.constant 0 : index
      %swap3A_32 = arith.constant 0 : index
      %swap3A_33 = arith.constant 0 : index
      %swap3A_34 = arith.constant 0 : index
      %swap3A_35 = arith.constant 0 : index
      %swap3A_36 = vector.load %arg6[%swap3A_30, %swap3A_31, %swap3A_32, %swap3A_33, %swap3A_34, %swap3A_35] : memref<1x1x1x320x1x320xf32, #tpu.memory_space<vmem>>, vector<1x1x1x320x1x320xf32>
      tpu.vector_store %arg6[%swap3A_30, %swap3A_31, %swap3A_32, %swap3A_33, %swap3A_34, %swap3A_35], %broadcast_in_dim3A_29 {strides = array<i32>} : memref<1x1x1x320x1x320xf32, #tpu.memory_space<vmem>>, vector<1x1x1x320x1x320xf32>,
      %get3A_37 = arith.constant 0 : index
      %get3A_38 = arith.constant 0 : index
      %get3A_39 = arith.constant 0 : index
      %get3A_40 = arith.constant 0 : index
      %get3A_41 = arith.constant 0 : index
      %get3A_42 = arith.constant 0 : index
      %get3A_43 = vector.load %arg4[%get3A_37, %get3A_38, %get3A_39, %get3A_40, %get3A_41, %get3A_42] : memref<1x1x1x1x1x320xf32, #tpu.memory_space<vmem>>, vector<1x1x1x1x1x320xf32>
      %broadcast_in_dim3A_44 = vector.shape_cast %get3A_43 : vector<1x1x1x1x1x320xf32> to vector<1x1x1x1x1x320xf32>
      %broadcast_in_dim3A_45 = vector.broadcast %broadcast_in_dim3A_44 : vector<1x1x1x1x1x320xf32> to vector<1x1x1x320x1x320xf32>
      %swap3A_46 = arith.constant 0 : index
      %swap3A_47 = arith.constant 0 : index
      %swap3A_48 = arith.constant 0 : index
      %swap3A_49 = arith.constant 0 : index
      %swap3A_50 = arith.constant 0 : index
      %swap3A_51 = arith.constant 0 : index
      %swap3A_52 = vector.load %arg7[%swap3A_46, %swap3A_47, %swap3A_48, %swap3A_49, %swap3A_50, %swap3A_51] : memref<1x1x1x320x1x320xf32, #tpu.memory_space<vmem>>, vector<1x1x1x320x1x320xf32>
      tpu.vector_store %arg7[%swap3A_46, %swap3A_47, %swap3A_48, %swap3A_49, %swap3A_50, %swap3A_51], %broadcast_in_dim3A_45 {strides = array<i32>} : memref<1x1x1x320x1x320xf32, #tpu.memory_space<vmem>>, vector<1x1x1x320x1x320xf32>,
    } else {
    }
    return
  }
  func.func @transform_0(%arg0: i32, %arg1: i32) -> (i32, i32, i32, i32, i32, i32) {
    %c0_i32 = arith.constant 0 : i32
    %c0_i32_0 = arith.constant 0 : i32
    %c0_i32_1 = arith.constant 0 : i32
    %c0_i32_2 = arith.constant 0 : i32
    %c0_i32_3 = arith.constant 0 : i32
    return %arg0, %arg1, %c0_i32, %c0_i32_0, %c0_i32_1, %c0_i32_2 : i32, i32, i32, i32, i32, i32
  }
  func.func @transform_1(%arg0: i32, %arg1: i32) -> (i32, i32, i32, i32, i32, i32) {
    %c0_i32 = arith.constant 0 : i32
    %c0_i32_0 = arith.constant 0 : i32
    %c0_i32_1 = arith.constant 0 : i32
    %c0_i32_2 = arith.constant 0 : i32
    %c0_i32_3 = arith.constant 0 : i32
    %c0_i32_4 = arith.constant 0 : i32
    return %arg0, %c0_i32, %c0_i32_0, %c0_i32_1, %c0_i32_2, %c0_i32_3 : i32, i32, i32, i32, i32, i32
  }
  func.func @transform_2(%arg0: i32, %arg1: i32) -> (i32, i32, i32, i32, i32, i32) {
    %c0_i32 = arith.constant 0 : i32
    %c0_i32_0 = arith.constant 0 : i32
    %c0_i32_1 = arith.constant 0 : i32
    %c0_i32_2 = arith.constant 0 : i32
    %c0_i32_3 = arith.constant 0 : i32
    %c0_i32_4 = arith.constant 0 : i32
    return %arg0, %c0_i32, %c0_i32_0, %c0_i32_1, %c0_i32_2, %c0_i32_3 : i32, i32, i32, i32, i32, i32
  }
  func.func @transform_3(%arg0: i32, %arg1: i32) -> (i32, i32, i32, i32, i32, i32) {
    %c0_i32 = arith.constant 0 : i32
    %c0_i32_0 = arith.constant 0 : i32
    %c0_i32_1 = arith.constant 0 : i32
    %c0_i32_2 = arith.constant 0 : i32
    %c0_i32_3 = arith.constant 0 : i32
    return %arg0, %arg1, %c0_i32, %c0_i32_0, %c0_i32_1, %c0_i32_2 : i32, i32, i32, i32, i32, i32
  }
  func.func @transform_4(%arg0: i32, %arg1: i32) -> (i32, i32, i32, i32, i32, i32) {
    %c0_i32 = arith.constant 0 : i32
    %c0_i32_0 = arith.constant 0 : i32
    %c0_i32_1 = arith.constant 0 : i32
    %c0_i32_2 = arith.constant 0 : i32
    %c0_i32_3 = arith.constant 0 : i32
    %c0_i32_4 = arith.constant 0 : i32
    return %arg0, %c0_i32, %c0_i32_0, %c0_i32_1, %c0_i32_2, %c0_i32_3 : i32, i32, i32, i32, i32, i32
  }
  func.func @transform_5(%arg0: i32, %arg1: i32) -> (i32, i32, i32, i32, i32, i32) {
    %c0_i32 = arith.constant 0 : i32
    %c0_i32_0 = arith.constant 0 : i32
    %c0_i32_1 = arith.constant 0 : i32
    %c0_i32_2 = arith.constant 0 : i32
    %c0_i32_3 = arith.constant 0 : i32
    %c0_i32_4 = arith.constant 0 : i32
    return %arg0, %c0_i32, %c0_i32_0, %c0_i32_1, %c0_i32_2, %c0_i32_3 : i32, i32, i32, i32, i32, i32
  }
}

</mosaic_0001>

<sc_bundles>
// kernel: kernel.5.cloned.1.call-start
scs
__scs_entry_jumppad:
0x0: {  	(pc) =	sbr.rel $0x88, $3  }
0x1: {  	(tag) =	ssettag $0x0;
	lr =	simm.s32 $0x1  }
0x2: {  	[smem:$0x3F9E] =	sst lr;
	_ =	strace $0xD0000000  }
0x3: {  	_ = 	snop  }
0x4: {  	_ = 	snop  }
0x5: {  	_ = 	snop  }
0x6: {  	_ = 	snop  }
0x7: {  	_ = 	snop  }
__scs_overlays_trampoline_lowered:
0x8: {  	[smem:$0x3FAD] =	sst s0  }
0x9: {  	[smem:$0x3FAE] =	sst s1  }
0xa: {  	[smem:$0x3FAF] =	sst s2  }
0xb: {  	[smem:$0x3FB0] =	sst s3  }
0xc: {  	[smem:$0x3FB1] =	sst s4  }
0xd: {  	[smem:$0x3FB2] =	sst s5  }
0xe: {  	[smem:$0x3FB3] =	sst s6  }
0xf: {  	[smem:$0x3FB4] =	sst s7  }
0x10: {  	[smem:$0x3FB5] =	sst s8  }
0x11: {  	[smem:$0x3FB6] =	sst s9;
	s0 =	simm.s32 @!p0 $0x0  }
0x12: {  	s1 =	sld [smem:$0x3F9C];
	s0 =	simm.s32 @p0 $0x1  }
0x13: {  	[smem:$0x3FB7] =	sst s0;
	s0 =	simm.s32 @!p1 $0x0  }
0x14: {  	s2 =	sld [smem:$0x3F9B];
	s0 =	simm.s32 @p1 $0x1  }
0x15: {  	[smem:$0x3FB8] =	sst s0;
	s0 =	simm.s32 @!p2 $0x0  }
0x16: {  	s3 =	sld [smem:$0x3FDB];
	s0 =	simm.s32 @p2 $0x1  }
0x17: {  	s4 =	simm.s32 $0x1BF5;
	[smem:$0x3FBA] =	sst s0  }
0x18: {  	s0 =	sld [smem:$0x3F9D];
	_ =	swait.ge [sflag:s4], $0x0  }
0x19: {  	s7 =	sld [smem:$0x3F9E]  }
0x1a: {  	s8 =	sadd.s32 $0xFFFFE003, lr  }
0x1b: {  	s9 =	sadd.s32 $0xFFFFFEF7, lr;
	s5 =	simm.s32 $0xFFFFFFFF;
	p2 =	slt.u32 s8, $0xFFFFF086  }
0x1c: {  	p1 =	slt.u32 s9, $0xF7A;
	s5 =	simm.s32 @!p2 $0x0  }
0x1d: {  	s5 =	simm.s32 @p1 $0x1;
	p0 =	seq.s32 s7, s2  }
0x1e: {  	s7 =	smul.u32 @!p0 $0xF7A, s2;
	p2 =	seq.s32 @!p0 s5, $0x0  }
0x1f: {  	s9 =	smul.u32 $0xF7A, s1;
	s8 =	simm.s32 @!p0 $0x1BF5;
	p2 =	por !p2, p0  }
0x20: {  	[sflag:s8] =	ssyncset.s32 @!p0 $0xFFFFF086;
	s6 =	sadd.s32 @!p0 s3, s7;
	s7 =	simm.s32 @!p0 $0x108  }
0x21: {  	s3 =	sadd.s32 s3, s9;
	s6 =	sadd.s32 @!p0 $0x88, s6;
	s7 =	simm.s32 @p2 $0x1082  }
0x22: {  	[simem:s7], [sflag:s8] =	dma.local @!p0 [hbm:s6], $0xF7A  }
0x23: {  	s9 =	sor.u32 $0xD0000000, s2;
	s6 =	simm.s32 $0x108;
	_ =	swait.ge @!p0 [sflag:s8], $0x0  }
0x24: {  	s3 =	sadd.s32 $0x88, s3;
	s6 =	simm.s32 @!p1 $0x1082;
	[sflag:s4] =	ssyncset.s32 $0xFFFFF086  }
0x25: {  	[simem:s6], [sflag:s4] =	dma.local [hbm:s3], $0xF7A  }
0x26: {  	[smem:$0x3F9E] =	sst s1;
	(tag) =	ssettag s2;
	_ =	strace s9  }
0x27: {  	s1 =	sld [smem:$0x3FAE]  }
0x28: {  	s2 =	sld [smem:$0x3FAF]  }
0x29: {  	s4 =	sld [smem:$0x3FB1]  }
0x2a: {  	p0 =	seq.s32 s5, $0x0;
	s5 =	sld [smem:$0x3FB2]  }
0x2b: {  	s6 =	sld [smem:$0x3FB3]  }
0x2c: {  	s7 =	sld [smem:$0x3FB4]  }
0x2d: {  	s3 =	simm.s32 $0x108;
	s8 =	sld [smem:$0x3FB5]  }
0x2e: {  	s3 =	simm.s32 @!p0 $0x1082;
	s9 =	sld [smem:$0x3FB6]  }
0x2f: {  	lr =	sadd.s32 s0, s3;
	s0 =	sld [smem:$0x3FAD]  }
0x30: {  	s3 =	sld [smem:$0x3FB0]  }
0x31: {  	[smem:$0x3FB9] =	sst s10  }
0x32: {  	s10 =	sld [smem:$0x3FB7];
	_ =	sdelay $0x3  }
0x33: {  	p0 =	seq.s32 s10, $0x1;
	s10 =	sld [smem:$0x3FB9];
	_ =	sdelay $0x3  }
0x34: {  	[smem:$0x3FB9] =	sst s10  }
0x35: {  	s10 =	sld [smem:$0x3FB8];
	_ =	sdelay $0x3  }
0x36: {  	p1 =	seq.s32 s10, $0x1;
	s10 =	sld [smem:$0x3FB9];
	_ =	sdelay $0x3  }
0x37: {  	[smem:$0x3FB9] =	sst s10  }
0x38: {  	s10 =	sld [smem:$0x3FBA]  }
0x39: {  	_ = 	snop;
	(pc) =	sbr.ind lr, $3  }
0x3a: {  	_ = 	snop  }
0x3b: {  	_ = 	snop  }
0x3c: {  	p2 =	seq.s32 s10, $0x1;
	s10 =	sld [smem:$0x3FB9]  }
0x3d: {  	_ =	shalt  }
0x3e: {  	_ =	shalt  }
0x3f: {  	_ =	shalt  }
0x40: {  	_ =	shalt  }
0x41: {  	_ =	shalt  }
0x42: {  	_ =	shalt  }
0x43: {  	_ =	shalt  }
0x44: {  	_ =	shalt  }
0x45: {  	_ =	shalt  }
0x46: {  	_ =	shalt  }
0x47: {  	_ =	shalt  }
0x48: {  	_ =	shalt  }
0x49: {  	_ =	shalt  }
0x4a: {  	_ =	shalt  }
0x4b: {  	_ =	shalt  }
0x4c: {  	_ =	shalt  }
0x4d: {  	_ =	shalt  }
0x4e: {  	_ =	shalt  }
0x4f: {  	_ =	shalt  }
0x50: {  	_ =	shalt  }
0x51: {  	_ =	shalt  }
0x52: {  	_ =	shalt  }
0x53: {  	_ =	shalt  }
0x54: {  	_ =	shalt  }
0x55: {  	_ =	shalt  }
0x56: {  	_ =	shalt  }
0x57: {  	_ =	shalt  }
0x58: {  	_ =	shalt  }
0x59: {  	_ =	shalt  }
0x5a: {  	_ =	shalt  }
0x5b: {  	_ =	shalt  }
0x5c: {  	_ =	shalt  }
0x5d: {  	_ =	shalt  }
0x5e: {  	_ =	shalt  }
0x5f: {  	_ =	shalt  }
0x60: {  	_ =	shalt  }
0x61: {  	_ =	shalt  }
0x62: {  	_ =	shalt  }
0x63: {  	_ =	shalt  }
0x64: {  	_ =	shalt  }
0x65: {  	_ =	shalt  }
0x66: {  	_ =	shalt  }
0x67: {  	_ =	shalt  }
0x68: {  	_ =	shalt  }
0x69: {  	_ =	shalt  }
0x6a: {  	_ =	shalt  }
0x6b: {  	_ =	shalt  }
0x6c: {  	_ =	shalt  }
0x6d: {  	_ =	shalt  }
0x6e: {  	_ =	shalt  }
0x6f: {  	_ =	shalt  }
0x70: {  	_ =	shalt  }
0x71: {  	_ =	shalt  }
0x72: {  	_ =	shalt  }
0x73: {  	_ =	shalt  }
0x74: {  	_ =	shalt  }
0x75: {  	_ =	shalt  }
0x76: {  	_ =	shalt  }
0x77: {  	_ =	shalt  }
0x78: {  	_ =	shalt  }
0x79: {  	_ =	shalt  }
0x7a: {  	_ =	shalt  }
0x7b: {  	_ =	shalt  }
0x7c: {  	_ =	shalt  }
0x7d: {  	_ =	shalt  }
0x7e: {  	_ =	shalt  }
0x7f: {  	_ =	shalt  }
0x80: {  	_ =	shalt  }
0x81: {  	_ =	shalt  }
0x82: {  	_ =	shalt  }
0x83: {  	_ =	shalt  }
0x84: {  	_ =	shalt  }
0x85: {  	_ =	shalt  }
0x86: {  	_ =	shalt  }
0x87: {  	_ =	shalt  }
.Lfunc_end0:
.L_simem_size_0:
called_computation_lowered:
.L_overlay_start_0:
0x88: {  	s2 =	sld [smem:$0x3FD9]  }
0x89: {  	s3 =	sld [smem:$0x3FFE];
	_ =	sdelay $0x1  }
0x8a: {  	s1 =	srdreg.scid  }
0x8b: {  	s0 =	sand.u32 $0x1, s1  }
0x8c: {  	s15 =	sshll.u32 s0, $0xA;
	s2 =	sadd.s32 s3, s2  }
0x8d: {  	s2 =	sadd.s32 s2, s15  }
0x8e: {  	[smem:$0x3FC5] =	sst s2  }
0x8f: {  	_ = 	snop  }
0x90: {  	s2 =	sld [smem:$0x3FD0];
	_ =	sdelay $0x2  }
0x91: {  	s4 =	simm.s32 $0xA;
	s5 =	simm.s32 $0x10;
	s16 =	sld [smem:$0x3FC9]  }
0x92: {  	[smem:s5], [sflag:s4] =	dma.local [hbm:s2], $0x1  }
0x93: {  	_ =	swait.eq [sflag:s4], $0x1  }
0x94: {  	[sflag:s4] =	ssyncset.done $0x0  }
0x95: {  	[sflag:s4] =	ssyncadd.s32 $0xFFFFFFFF  }
0x96: {  	s17 =	sld [smem:$0x11];
	(tm) =	ssettm $0x1  }
0x97: {  	s18 =	sld [smem:$0x3FFB];
	_ =	sdelay $0x3  }
0x98: {  	_ =	strace s18  }
0x99: {  	s4 =	sld [smem:$0x3FFC];
	_ =	sdelay $0x3  }
0x9a: {  	_ =	strace s4  }
0x9b: {  	s4 =	sld [smem:$0x3FFD];
	_ =	sdelay $0x3  }
0x9c: {  	_ =	strace s4  }
0x9d: {  	_ =	strace $0x8FFFFFFF  }
0x9e: {  	s19 =	sld [smem:$0x3FDB];
	_ =	sdelay $0x1  }
0x9f: {  	s20 =	simm.s32 $_scs_section_size  }
0xa0: {  	s6 =	simm.s32 $_size__tile_overlayer_lowered;
	s7 =	simm.s32 $_tile_overlayer_lowered  }
0xa1: {  	s23 =	simm.s32 $0x1BFF;
	s22 =	sshll.u32 s7, $0x1;
	s4 =	sadd.s32 s20, s19  }
0xa2: {  	s8 =	simm.s32 $0x0;
	s21 =	sshll.u32 s6, $0x1;
	s6 =	sadd.s32 s22, s4  }
0xa3: {  	[timem:s8], [sflag:s23] =	dma.local [hbm:s6], s21  }
0xa4: {  	_ =	swait.ge [sflag:s23], s21  }
0xa5: {  	s5 =	ssub.s32 $0x0, s21;
	[sflag:s23] =	ssyncset.done $0x0  }
0xa6: {  	[sflag:s23] =	ssyncadd.s32 s5;
	_ =	sdelay $0x1  }
0xa7: {  	s24 =	simm.s32 $0x1B8B  }
0xa8: {  	_ =	swait.ge [sflag:s24], $0x1  }
0xa9: {  	[sflag:s24] =	ssyncset.done $0x0  }
0xaa: {  	s25 =	simm.s32 $0x1B8E;
	[sflag:s24] =	ssyncadd.s32 $0xFFFFFFFF  }
0xab: {  	s26 =	simm.s32 $execute0_lowered;
	[smem:$0x3FD2] =	sst s25  }
0xac: {  	s5 =	sshll.u32 s26, $0x1;
	_ =	strace $0x80000046;
	[dreg:$0x1] =	wrdreg $0xFFFFFFFF  }
0xad: {  	s28 =	simm.s32 $_size_execute0_lowered;
	s4 =	sadd.s32 s4, s5;
	[dreg:$0x0] =	wrdreg $0x0  }
0xae: {  	s5 =	sshll.u32 s28, $0x1;
	[dreg:$0x2] =	wrdreg s4  }
0xaf: {  	[dreg:$0x3] =	wrdreg s5  }
0xb0: {  	[dreg:$0x4] =	wrdreg $0xC0  }
0xb1: {  	_ =	task [dreg:s8], $0x5FFFF  }
0xb2: {  	[dreg:$0x1] =	wrdreg $0xFFFFFFFF  }
0xb3: {  	[dreg:$0x0] =	wrdreg $0x60  }
0xb4: {  	[dreg:$0x2] =	wrdreg s16  }
0xb5: {  	[dreg:$0x3] =	wrdreg s17  }
0xb6: {  	[dreg:$0x4] =	wrdreg $0x9  }
0xb7: {  	_ =	task.clear_ibuf [dreg:s8], $0x5FFFF;
	_ =	strace $0x90000046  }
0xb8: {  	s29 =	simm.s32 $0x9;
	_ =	strace $0x80000048  }
0xb9: {  	_ =	swait.ge [sflag:s29], $0x1  }
0xba: {  	[sflag:s29] =	ssyncadd.s32 $0xFFFFFFFF  }
0xbb: {  	_ =	strace $0x90000048  }
0xbc: {  	_ =	sfence  }
0xbd: {  	s30 =	sld [smem:$0x0];
	_ =	sdelay $0x2  }
0xbe: {  	s31 =	sshll.u32 s1, $0xD;
	s1 =	sshrl.u32 s1, $0x2  }
0xbf: {  	s3 =	sand.u32 $0x4000, s31;
	s1 =	sadd.s32 s1, s30  }
0xc0: {  	s0 =	sor.u32 s3, s0;
	s1 =	sshll.u32 s1, $0x11  }
0xc1: {  	s0 =	sor.u32 s1, s0  }
0xc2: {  	s0 =	sadd.s32 $0x8F2B, s0  }
0xc3: {  	[sflag:s0] =	ssyncadd.remote.s32 $0x1  }
0xc4: {  	_ =	sfence.sel $0xFFFF  }
0xc5: {  	[dreg:$0x0] =	wrdreg $0xFFFFFFFF;
	(pc) =	sbr.abs _section_cstart, $3  }
0xc6: {  	[dreg:$0x1] =	wrdreg $0xFFFFFFFF  }
0xc7: {  	_ =	task.clear_ibuf [dreg:s8], $0x2FFFF;
	_ =	strace $0x9FFFFFFF  }
0xc8: {  	(tm) =	ssettm $0x7FFFFFFF  }
0xc9: {  	_ =	shalt  }
tec
execute0_lowered:
.L_overlay_start_1:
0x0: {  	(tag) =	ssettag $0x1  }
0x1: {  	s3 =	rddreg [dreg:$0x0]  }
0x2: {  	s5 =	rddreg [dreg:$0x1]  }
0x3: {  	s1 =	srdreg.scid;
	s0 =	stileid.u32  }
0x4: {  	s7 =	simm.s32 $0xF000;
	s4 =	sand.u32 $0x1, s1;
	s2 =	sand.u32 $0x7, s0  }
0x5: {  	s28 =	sshrl.u32 s0, $0x3;
	s6 =	smul.u32 $0x1E000, s2;
	p0 =	seq.s32 s4, $0x1  }
0x6: {  	s1 =	rddreg [dreg:$0x2];
	s8 =	smul.u32 $0xF0000, s28;
	s7 =	simm.s32 @!p0 $0x0  }
0x7: {  	s2 =	simm.s32 $0x0;
	s29 =	ssub.s32 $0x2, s4;
	s6 =	sadd.s32 s7, s6  }
0x8: {  	[smem:$0x7FF] =	sst s2;
	s30 =	sshrl.u32 s29, $0x1;
	s6 =	sadd.s32 s8, s6  }
0x9: {  	_ =	strace $0x80000047;
	s7 =	ssub.s32 s29, s30;
	s6 =	sshrl.u32 s6, $0x3  }
0xa: {  	s31 =	smax.u32 s7, $0x1;
	s4 =	sadd.s32 s3, s6;
	s3 =	simm.s32 $0x1  }
0xb: {  	[tilespmem:s2], [sflag:$0x1] =	stream.linear.gather [hbm4b:s4+s2], $0xF000, $0x38;
	[tilespmem:$0xF000] =	vst v63  }
0xc: {  	p0 =	sne.s32 s31, $0x1;
	_ =	swait.ge [sflag:s3], $0xF000  }
.Ltmp0:
0xd: {  	[sflag:s3] =	ssyncset.done $0x0;
	(pc) =	sbr.rel @!p0 .LBB2_2-.Ltmp0, $4  }
0xe: {  	s5 =	sadd.s32 s5, s6;
	[sflag:s3] =	ssyncadd.s32 $0xFFFF1000  }
0xf: {  	[hbm4b:s5+s2] =	stream.linear.scatter [tilespmem:s2], [sflag:$0x1], $0xF000, $0x38;
	[tilespmem:$0xF000] =	vst v63  }
0x10: {  	_ =	swait.ge [sflag:s3], $0xF000  }
0x11: {  	s6 =	sadd.s32 $0xFFFFFFFF, s31;
	[sflag:s3] =	ssyncset.done $0x0  }
.LBB2_1:
0x12: {  	p0 =	sne.s32 s6, $0x1;
	s6 =	sadd.s32 $0xFFFFFFFF, s6;
	[sflag:s3] =	ssyncadd.s32 $0xFFFF1000  }
0x13: {  	[tilespmem:s2], [sflag:$0x1] =	stream.linear.gather [hbm4b:s4+s2], $0xF000, $0x38;
	[tilespmem:$0xF000] =	vst v63  }
0x14: {  	_ =	swait.ge [sflag:s3], $0xF000  }
.Ltmp1:
0x15: {  	[sflag:s3] =	ssyncset.done $0x0;
	(pc) =	sbr.rel @p0 .LBB2_1-.Ltmp1, $4  }
0x16: {  	[sflag:s3] =	ssyncadd.s32 $0xFFFF1000  }
0x17: {  	[hbm4b:s5+s2] =	stream.linear.scatter [tilespmem:s2], [sflag:$0x1], $0xF000, $0x38;
	[tilespmem:$0xF000] =	vst v63  }
0x18: {  	_ =	swait.ge [sflag:s3], $0xF000  }
0x19: {  	[sflag:s3] =	ssyncset.done $0x0  }
.LBB2_2:
0x1a: {  	[sflag:s3] =	ssyncadd.s32 $0xFFFF1000  }
0x1b: {  	_ =	sfence.sel $0x180000  }
0x1c: {  	[bflag:$0x0] =	sbarrier.arrive $0xFFFF  }
0x1d: {  	p0 =	sne.s32 s0, $0x0;
	_ =	strace $0x90000047  }
0x1e: {  	s0 =	sadd.s32 @!p0 $0x100000, s1;
	[bflag:$0x2] =	sbarrier.arrive $0xFFFF  }
0x1f: {  	[sflag:s0] =	ssyncadd.tile.s32 @!p0 $0x1;
	_ =	shalt  }
.Lfunc_end2:
_tile_overlayer_lowered:
.L_overlay_start_2:
0x20: {  	(tag) =	ssettag $0x2  }
0x21: {  	s0 =	rddreg [dreg:$0x0];
	s2 =	stileid.u32  }
0x22: {  	s1 =	rddreg [dreg:$0x1];
	p0 =	sne.s32 s2, $0x0  }
0x23: {  	s3 =	rddreg [dreg:$0x2];
	[bflag:$0x3] =	sbarrier.arrive $0xFFFF;
	s2 =	simm.s32 @!p0 $0x1C01  }
0x24: {  	[timem:s3], [sflag:s2] =	dma.local @!p0 [hbm:s0], s1  }
0x25: {  	s0 =	simm.s32 @!p0 $0x1  }
0x26: {  	_ =	swait.ge @!p0 [sflag:s0], s1  }
0x27: {  	s1 =	ssub.s32 @!p0 $0x0, s1;
	[sflag:s0] =	ssyncset.done @!p0 $0x0  }
0x28: {  	[sflag:s0] =	ssyncadd.s32 @!p0 s1  }
0x29: {  	[bflag:$0x3] =	sbarrier.arrive $0xFFFF  }
0x2a: {  	_ =	shalt  }

</sc_bundles>
